<compile_context>
chip_gen: v7x
topology: tpu7x:2x2x1
jax: 0.10.2.dev20260603
libtpu: 0.0.44.dev20260713+nightly
codegen_flags: <defaults>
</compile_context>

<pallas_src>
import jax
import jax.numpy as jnp
from jax import lax
from jax.experimental import pallas as pl
from jax.experimental.pallas import tpu as pltpu
from jax.experimental.pallas import tpu_sc as plsc

_LENGTH = 8192
_DIM = 16
_NUM_CORES = 2
_NUM_SUBCORES = 16
_NUM_WORKERS = _NUM_CORES * _NUM_SUBCORES
_COLS = _LENGTH // _NUM_WORKERS
_ALIGN = 128
_WIN = _COLS + _ALIGN
_LANES = 16


def _slice_copy(pos_hbm, embt_hbm, out_hbm, pos_v, buf_v, buf2_v, sem_a, sem_b, sem_o):
    wid = lax.axis_index("s") * _NUM_CORES + lax.axis_index("c")
    base = wid * _COLS
    half = _COLS // 2
    pltpu.sync_copy(pos_hbm, pos_v.at[pl.ds(0, 1)])
    p = pos_v[...][0]
    r = lax.rem(p, _ALIGN)
    astart = pl.multiple_of(p - r + base, _ALIGN)
    cp_a = pltpu.async_copy(
        embt_hbm.at[:, pl.ds(astart, _COLS)], buf_v.at[:, pl.ds(0, _COLS)], sem_a
    )
    cp_b = pltpu.async_copy(
        embt_hbm.at[:, pl.ds(astart + _COLS, _ALIGN)],
        buf_v.at[:, pl.ds(_COLS, _ALIGN)],
        sem_b,
    )
    lanes = jax.lax.iota(jnp.int32, _LANES)
    rvec = jnp.full((_LANES,), r, jnp.int32) + lanes

    def _shift(j_lo, j_hi):
        def body(s, carry):
            row = jnp.full((_LANES,), s, jnp.int32)
            for j in range(j_lo, j_hi):
                v = plsc.load_gather(buf_v, [row, rvec + (j * _LANES)])
                buf2_v[s, pl.ds(j * _LANES, _LANES)] = v
            return carry

        lax.fori_loop(0, _DIM, body, 0)

    nj = _COLS // _LANES
    cp_a.wait()
    _shift(0, nj // 2)
    cp_o = pltpu.async_copy(
        buf2_v.at[:, pl.ds(0, half)], out_hbm.at[:, pl.ds(base, half)], sem_o
    )
    cp_b.wait()
    _shift(nj // 2, nj)
    cp_o.wait()
    pltpu.sync_copy(
        buf2_v.at[:, pl.ds(half, half)], out_hbm.at[:, pl.ds(base + half, half)]
    )


def kernel(pos, embed):
    pos32 = pos.astype(jnp.int32)
    embed_t = embed.T
    mesh = plsc.VectorSubcoreMesh(core_axis_name="c", subcore_axis_name="s")
    run = pl.kernel(
        _slice_copy,
        mesh=mesh,
        out_type=jax.ShapeDtypeStruct((_DIM, _LENGTH), jnp.float32),
        scratch_types=[
            pltpu.VMEM((16,), jnp.int32),
            pltpu.VMEM((_DIM, _WIN), jnp.float32),
            pltpu.VMEM((_DIM, _COLS), jnp.float32),
            pltpu.SemaphoreType.DMA,
            pltpu.SemaphoreType.DMA,
            pltpu.SemaphoreType.DMA,
        ],
        compiler_params=pltpu.CompilerParams(needs_layout_passes=False),
    )
    return run(pos32, embed_t).T

# --- scband reference (transcript-rebuilt; emitter-appended) ---
"""Pipeline reference for scband-dynamic-arange-model-6614249635877 (READ-ONLY COPY).

The authoritative reference and input builder live on the scoring server;
editing this copy changes nothing except your own understanding.
"""

import jax, jax.numpy as jnp
import numpy as np

LENGTH = 8192
VOCAB = 100000
DIM = 16


def setup_inputs(seed: int = 0) -> dict:
    key = jax.random.key(seed)
    k1, k2 = jax.random.split(key)
    pos = jax.random.randint(k1, (1,), 0, 1000).astype(jnp.int64)
    embed = jax.random.normal(k2, (VOCAB, DIM), dtype=jnp.float32) * 0.02
    return {"pos": pos, "embed": embed}


def reference(pos, embed):
    # positions = arange(pos, pos + LENGTH)
    positions = jnp.arange(LENGTH, dtype=pos.dtype) + pos[0]
    # embedding lookup -> gather rows
    return jnp.take(embed, positions, axis=0)

if __name__ == "__main__":
    import jax
    _d = setup_inputs()
    print(jax.jit(kernel)(*tuple(_d.values())))

</pallas_src>

<mosaic_0001>
#map = affine_map<(d0, d1) -> (0)>
#map1 = affine_map<(d0, d1) -> (0, 0)>
module attributes {stable_mosaic.version = 14 : i64} {
  func.func @_slice_copy(%arg0: i32, %arg1: i32, %arg2: memref<1xi32, #tpu.memory_space<hbm>>, %arg3: memref<16x100000xf32, #tpu.memory_space<hbm>>, %arg4: memref<16x8192xf32, #tpu.memory_space<hbm>>, %arg5: memref<16xi32, #tpu.memory_space<vmem>>, %arg6: memref<16x384xf32, #tpu.memory_space<vmem>>, %arg7: memref<16x256xf32, #tpu.memory_space<vmem>>, %arg8: memref<!tpu.dma_semaphore, #tpu.memory_space<semaphore_mem>>, %arg9: memref<!tpu.dma_semaphore, #tpu.memory_space<semaphore_mem>>, %arg10: memref<!tpu.dma_semaphore, #tpu.memory_space<semaphore_mem>>) attributes {dimension_semantics = [#tpu.dimension_semantics<core_parallel>, #tpu.dimension_semantics<subcore_parallel>], iteration_bounds = array<i64: 2, 16>, scalar_prefetch = 0 : i64, scratch_operands = 6 : i64, tpu.core_type = #tpu.core_type<sc_vector_subcore>, window_params = [{transform_indices = #map}, {transform_indices = #map1}, {transform_indices = #map1}]} {
    %mul3A = arith.constant 2 : i32
    %mul3A_0 = arith.muli %arg1, %mul3A : i32
    %add3A = arith.addi %mul3A_0, %arg0 : i32
    %mul3A_1 = arith.constant 256 : i32
    %mul3A_2 = arith.muli %add3A, %mul3A_1 : i32
    "tpu.region"() ({
      %run_scoped3A = tpu.sem_alloc : memref<!tpu.dma_semaphore, #tpu.memory_space<semaphore_mem>>
      %dma_start3A_80 = arith.constant 0 : i32
      %dma_start3A_81 = tpu.memref_slice %arg5[%dma_start3A_80] : memref<16xi32, #tpu.memory_space<vmem>> -> memref<1xi32, #tpu.memory_space<vmem>>
      %dma_start3A_82 = arith.constant 0 : i32
      %dma_start3A_83 = tpu.memref_slice %arg5[%dma_start3A_82] : memref<16xi32, #tpu.memory_space<vmem>> -> memref<1xi32, #tpu.memory_space<vmem>>
      tpu.enqueue_dma source(%arg2 : memref<1xi32, #tpu.memory_space<hbm>>) target(%dma_start3A_83 : memref<1xi32, #tpu.memory_space<vmem>>) target_semaphore(%run_scoped3A : memref<!tpu.dma_semaphore, #tpu.memory_space<semaphore_mem>>)
      %dma_wait3A_84 = arith.constant 0 : i32
      %dma_wait3A_85 = tpu.memref_slice %arg5[%dma_wait3A_84] : memref<16xi32, #tpu.memory_space<vmem>> -> memref<1xi32, #tpu.memory_space<vmem>>
      %dma_wait3A_86 = arith.constant 0 : i32
      %dma_wait3A_87 = tpu.memref_slice %arg5[%dma_wait3A_86] : memref<16xi32, #tpu.memory_space<vmem>> -> memref<1xi32, #tpu.memory_space<vmem>>
      tpu.wait_dma2 semaphore(%run_scoped3A : memref<!tpu.dma_semaphore, #tpu.memory_space<semaphore_mem>>) src(%arg2 : memref<1xi32, #tpu.memory_space<hbm>>) dst(%dma_wait3A_87 : memref<1xi32, #tpu.memory_space<vmem>>)
      tpu.yield
    }) : () -> ()
    %get3A = arith.constant 0 : index
    %get3A_3 = tpu.vector_load %arg5[%get3A] {strides = array<i32>} : memref<16xi32, #tpu.memory_space<vmem>>, vector<16xi32>,
    %slice3A = vector.extract_strided_slice %get3A_3 {offsets = [0], sizes = [1], strides = [1]} : vector<16xi32> to vector<1xi32>
    %squeeze3A = vector.extract %slice3A[0] : i32 from vector<1xi32>
    %rem3A = arith.constant 128 : i32
    %rem3A_4 = arith.remsi %squeeze3A, %rem3A : i32
    %sub3A = arith.subi %squeeze3A, %rem3A_4 : i32
    %add3A_5 = arith.addi %sub3A, %mul3A_2 : i32
    %multiple_of3A = tpu.assume_multiple %add3A_5, 128 : i32
    %dma_start3A = arith.constant 0 : i32
    %dma_start3A_6 = arith.constant 0 : i32
    %dma_start3A_7 = tpu.memref_slice %arg6[%dma_start3A, %dma_start3A_6] : memref<16x384xf32, #tpu.memory_space<vmem>> -> memref<16x256xf32, #tpu.memory_space<vmem>>
    %dma_start3A_8 = arith.constant 0 : i32
    %dma_start3A_9 = tpu.memref_slice %arg3[%dma_start3A_8, %multiple_of3A] : memref<16x100000xf32, #tpu.memory_space<hbm>> -> memref<16x256xf32, #tpu.memory_space<hbm>>
    %dma_start3A_10 = arith.constant 0 : i32
    %dma_start3A_11 = arith.constant 0 : i32
    %dma_start3A_12 = tpu.memref_slice %arg6[%dma_start3A_10, %dma_start3A_11] : memref<16x384xf32, #tpu.memory_space<vmem>> -> memref<16x256xf32, #tpu.memory_space<vmem>>
    %dma_start3A_13 = arith.constant 0 : i32
    %dma_start3A_14 = tpu.memref_slice %arg3[%dma_start3A_13, %multiple_of3A] : memref<16x100000xf32, #tpu.memory_space<hbm>> -> memref<16x256xf32, #tpu.memory_space<hbm>>
    tpu.enqueue_dma source(%dma_start3A_14 : memref<16x256xf32, #tpu.memory_space<hbm>>) target(%dma_start3A_12 : memref<16x256xf32, #tpu.memory_space<vmem>>) target_semaphore(%arg8 : memref<!tpu.dma_semaphore, #tpu.memory_space<semaphore_mem>>)
    %add3A_15 = arith.constant 256 : i32
    %add3A_16 = arith.addi %multiple_of3A, %add3A_15 : i32
    %dma_start3A_17 = arith.constant 0 : i32
    %dma_start3A_18 = arith.constant 256 : i32
    %dma_start3A_19 = tpu.memref_slice %arg6[%dma_start3A_17, %dma_start3A_18] : memref<16x384xf32, #tpu.memory_space<vmem>> -> memref<16x128xf32, #tpu.memory_space<vmem>>
    %dma_start3A_20 = arith.constant 0 : i32
    %dma_start3A_21 = tpu.memref_slice %arg3[%dma_start3A_20, %add3A_16] : memref<16x100000xf32, #tpu.memory_space<hbm>> -> memref<16x128xf32, #tpu.memory_space<hbm>>
    %dma_start3A_22 = arith.constant 0 : i32
    %dma_start3A_23 = arith.constant 256 : i32
    %dma_start3A_24 = tpu.memref_slice %arg6[%dma_start3A_22, %dma_start3A_23] : memref<16x384xf32, #tpu.memory_space<vmem>> -> memref<16x128xf32, #tpu.memory_space<vmem>>
    %dma_start3A_25 = arith.constant 0 : i32
    %dma_start3A_26 = tpu.memref_slice %arg3[%dma_start3A_25, %add3A_16] : memref<16x100000xf32, #tpu.memory_space<hbm>> -> memref<16x128xf32, #tpu.memory_space<hbm>>
    tpu.enqueue_dma source(%dma_start3A_26 : memref<16x128xf32, #tpu.memory_space<hbm>>) target(%dma_start3A_24 : memref<16x128xf32, #tpu.memory_space<vmem>>) target_semaphore(%arg9 : memref<!tpu.dma_semaphore, #tpu.memory_space<semaphore_mem>>)
    %iota3A = tpu.iota {dimensions = array<i32: 0>} : vector<16xi32>
    %broadcast_in_dim3A = vector.broadcast %rem3A_4 : i32 to vector<16xi32>
    %add3A_27 = arith.addi %broadcast_in_dim3A, %iota3A : vector<16xi32>
    %dma_wait3A = arith.constant 0 : i32
    %dma_wait3A_28 = arith.constant 0 : i32
    %dma_wait3A_29 = tpu.memref_slice %arg6[%dma_wait3A, %dma_wait3A_28] : memref<16x384xf32, #tpu.memory_space<vmem>> -> memref<16x256xf32, #tpu.memory_space<vmem>>
    %dma_wait3A_30 = arith.constant 0 : i32
    %dma_wait3A_31 = tpu.memref_slice %arg3[%dma_wait3A_30, %multiple_of3A] : memref<16x100000xf32, #tpu.memory_space<hbm>> -> memref<16x256xf32, #tpu.memory_space<hbm>>
    %dma_wait3A_32 = arith.constant 0 : i32
    %dma_wait3A_33 = arith.constant 0 : i32
    %dma_wait3A_34 = tpu.memref_slice %arg6[%dma_wait3A_32, %dma_wait3A_33] : memref<16x384xf32, #tpu.memory_space<vmem>> -> memref<16x256xf32, #tpu.memory_space<vmem>>
    %dma_wait3A_35 = arith.constant 0 : i32
    %dma_wait3A_36 = tpu.memref_slice %arg3[%dma_wait3A_35, %multiple_of3A] : memref<16x100000xf32, #tpu.memory_space<hbm>> -> memref<16x256xf32, #tpu.memory_space<hbm>>
    tpu.wait_dma2 semaphore(%arg8 : memref<!tpu.dma_semaphore, #tpu.memory_space<semaphore_mem>>) src(%dma_wait3A_36 : memref<16x256xf32, #tpu.memory_space<hbm>>) dst(%dma_wait3A_34 : memref<16x256xf32, #tpu.memory_space<vmem>>)
    %scan3A = arith.constant 0 : i32
    %scan3A_37 = arith.constant 0 : i32
    %scan3A_38 = arith.constant 16 : i32
    %scan3A_39 = arith.addi %scan3A_37, %scan3A_38 : i32
    %scan3A_40 = arith.constant 1 : i32
    scf.for %scan3A_80 = %scan3A_37 to %scan3A_39 step %scan3A_40  : i32 {
      %broadcast_in_dim3A_81 = vector.broadcast %scan3A_80 : i32 to vector<16xi32>
      %add3A_82 = arith.constant 0 : i32
      %add3A_83 = vector.broadcast %add3A_82 : i32 to vector<16xi32>
      %add3A_84 = arith.addi %add3A_27, %add3A_83 : vector<16xi32>
      %gather3A = tpu.vector_load_idx %arg6[%broadcast_in_dim3A_81, %add3A_84] : memref<16x384xf32, #tpu.memory_space<vmem>>[vector<16xi32>, vector<16xi32>], vector<16xf32>,
      %swap3A = arith.index_cast %scan3A_80 : i32 to index
      %swap3A_85 = arith.constant 0 : index
      %swap3A_86 = tpu.vector_load %arg7[%swap3A, %swap3A_85] {strides = array<i32>} : memref<16x256xf32, #tpu.memory_space<vmem>>, vector<16xf32>,
      tpu.vector_store %arg7[%swap3A, %swap3A_85], %gather3A {strides = array<i32>} : memref<16x256xf32, #tpu.memory_space<vmem>>, vector<16xf32>,
      %add3A_87 = arith.constant 16 : i32
      %add3A_88 = vector.broadcast %add3A_87 : i32 to vector<16xi32>
      %add3A_89 = arith.addi %add3A_27, %add3A_88 : vector<16xi32>
      %gather3A_90 = tpu.vector_load_idx %arg6[%broadcast_in_dim3A_81, %add3A_89] : memref<16x384xf32, #tpu.memory_space<vmem>>[vector<16xi32>, vector<16xi32>], vector<16xf32>,
      %swap3A_91 = arith.index_cast %scan3A_80 : i32 to index
      %swap3A_92 = arith.constant 16 : index
      %swap3A_93 = tpu.vector_load %arg7[%swap3A_91, %swap3A_92] {strides = array<i32>} : memref<16x256xf32, #tpu.memory_space<vmem>>, vector<16xf32>,
      tpu.vector_store %arg7[%swap3A_91, %swap3A_92], %gather3A_90 {strides = array<i32>} : memref<16x256xf32, #tpu.memory_space<vmem>>, vector<16xf32>,
      %add3A_94 = arith.constant 32 : i32
      %add3A_95 = vector.broadcast %add3A_94 : i32 to vector<16xi32>
      %add3A_96 = arith.addi %add3A_27, %add3A_95 : vector<16xi32>
      %gather3A_97 = tpu.vector_load_idx %arg6[%broadcast_in_dim3A_81, %add3A_96] : memref<16x384xf32, #tpu.memory_space<vmem>>[vector<16xi32>, vector<16xi32>], vector<16xf32>,
      %swap3A_98 = arith.index_cast %scan3A_80 : i32 to index
      %swap3A_99 = arith.constant 32 : index
      %swap3A_100 = tpu.vector_load %arg7[%swap3A_98, %swap3A_99] {strides = array<i32>} : memref<16x256xf32, #tpu.memory_space<vmem>>, vector<16xf32>,
      tpu.vector_store %arg7[%swap3A_98, %swap3A_99], %gather3A_97 {strides = array<i32>} : memref<16x256xf32, #tpu.memory_space<vmem>>, vector<16xf32>,
      %add3A_101 = arith.constant 48 : i32
      %add3A_102 = vector.broadcast %add3A_101 : i32 to vector<16xi32>
      %add3A_103 = arith.addi %add3A_27, %add3A_102 : vector<16xi32>
      %gather3A_104 = tpu.vector_load_idx %arg6[%broadcast_in_dim3A_81, %add3A_103] : memref<16x384xf32, #tpu.memory_space<vmem>>[vector<16xi32>, vector<16xi32>], vector<16xf32>,
      %swap3A_105 = arith.index_cast %scan3A_80 : i32 to index
      %swap3A_106 = arith.constant 48 : index
      %swap3A_107 = tpu.vector_load %arg7[%swap3A_105, %swap3A_106] {strides = array<i32>} : memref<16x256xf32, #tpu.memory_space<vmem>>, vector<16xf32>,
      tpu.vector_store %arg7[%swap3A_105, %swap3A_106], %gather3A_104 {strides = array<i32>} : memref<16x256xf32, #tpu.memory_space<vmem>>, vector<16xf32>,
      %add3A_108 = arith.constant 64 : i32
      %add3A_109 = vector.broadcast %add3A_108 : i32 to vector<16xi32>
      %add3A_110 = arith.addi %add3A_27, %add3A_109 : vector<16xi32>
      %gather3A_111 = tpu.vector_load_idx %arg6[%broadcast_in_dim3A_81, %add3A_110] : memref<16x384xf32, #tpu.memory_space<vmem>>[vector<16xi32>, vector<16xi32>], vector<16xf32>,
      %swap3A_112 = arith.index_cast %scan3A_80 : i32 to index
      %swap3A_113 = arith.constant 64 : index
      %swap3A_114 = tpu.vector_load %arg7[%swap3A_112, %swap3A_113] {strides = array<i32>} : memref<16x256xf32, #tpu.memory_space<vmem>>, vector<16xf32>,
      tpu.vector_store %arg7[%swap3A_112, %swap3A_113], %gather3A_111 {strides = array<i32>} : memref<16x256xf32, #tpu.memory_space<vmem>>, vector<16xf32>,
      %add3A_115 = arith.constant 80 : i32
      %add3A_116 = vector.broadcast %add3A_115 : i32 to vector<16xi32>
      %add3A_117 = arith.addi %add3A_27, %add3A_116 : vector<16xi32>
      %gather3A_118 = tpu.vector_load_idx %arg6[%broadcast_in_dim3A_81, %add3A_117] : memref<16x384xf32, #tpu.memory_space<vmem>>[vector<16xi32>, vector<16xi32>], vector<16xf32>,
      %swap3A_119 = arith.index_cast %scan3A_80 : i32 to index
      %swap3A_120 = arith.constant 80 : index
      %swap3A_121 = tpu.vector_load %arg7[%swap3A_119, %swap3A_120] {strides = array<i32>} : memref<16x256xf32, #tpu.memory_space<vmem>>, vector<16xf32>,
      tpu.vector_store %arg7[%swap3A_119, %swap3A_120], %gather3A_118 {strides = array<i32>} : memref<16x256xf32, #tpu.memory_space<vmem>>, vector<16xf32>,
      %add3A_122 = arith.constant 96 : i32
      %add3A_123 = vector.broadcast %add3A_122 : i32 to vector<16xi32>
      %add3A_124 = arith.addi %add3A_27, %add3A_123 : vector<16xi32>
      %gather3A_125 = tpu.vector_load_idx %arg6[%broadcast_in_dim3A_81, %add3A_124] : memref<16x384xf32, #tpu.memory_space<vmem>>[vector<16xi32>, vector<16xi32>], vector<16xf32>,
      %swap3A_126 = arith.index_cast %scan3A_80 : i32 to index
      %swap3A_127 = arith.constant 96 : index
      %swap3A_128 = tpu.vector_load %arg7[%swap3A_126, %swap3A_127] {strides = array<i32>} : memref<16x256xf32, #tpu.memory_space<vmem>>, vector<16xf32>,
      tpu.vector_store %arg7[%swap3A_126, %swap3A_127], %gather3A_125 {strides = array<i32>} : memref<16x256xf32, #tpu.memory_space<vmem>>, vector<16xf32>,
      %add3A_129 = arith.constant 112 : i32
      %add3A_130 = vector.broadcast %add3A_129 : i32 to vector<16xi32>
      %add3A_131 = arith.addi %add3A_27, %add3A_130 : vector<16xi32>
      %gather3A_132 = tpu.vector_load_idx %arg6[%broadcast_in_dim3A_81, %add3A_131] : memref<16x384xf32, #tpu.memory_space<vmem>>[vector<16xi32>, vector<16xi32>], vector<16xf32>,
      %swap3A_133 = arith.index_cast %scan3A_80 : i32 to index
      %swap3A_134 = arith.constant 112 : index
      %swap3A_135 = tpu.vector_load %arg7[%swap3A_133, %swap3A_134] {strides = array<i32>} : memref<16x256xf32, #tpu.memory_space<vmem>>, vector<16xf32>,
      tpu.vector_store %arg7[%swap3A_133, %swap3A_134], %gather3A_132 {strides = array<i32>} : memref<16x256xf32, #tpu.memory_space<vmem>>, vector<16xf32>,
    }
    %scan3A_41 = arith.constant 16 : i32
    %dma_start3A_42 = arith.constant 0 : i32
    %dma_start3A_43 = arith.constant 0 : i32
    %dma_start3A_44 = tpu.memref_slice %arg7[%dma_start3A_42, %dma_start3A_43] : memref<16x256xf32, #tpu.memory_space<vmem>> -> memref<16x128xf32, #tpu.memory_space<vmem>>
    %dma_start3A_45 = arith.constant 0 : i32
    %dma_start3A_46 = tpu.memref_slice %arg4[%dma_start3A_45, %mul3A_2] : memref<16x8192xf32, #tpu.memory_space<hbm>> -> memref<16x128xf32, #tpu.memory_space<hbm>>
    %dma_start3A_47 = arith.constant 0 : i32
    %dma_start3A_48 = tpu.memref_slice %arg4[%dma_start3A_47, %mul3A_2] : memref<16x8192xf32, #tpu.memory_space<hbm>> -> memref<16x128xf32, #tpu.memory_space<hbm>>
    %dma_start3A_49 = arith.constant 0 : i32
    %dma_start3A_50 = arith.constant 0 : i32
    %dma_start3A_51 = tpu.memref_slice %arg7[%dma_start3A_49, %dma_start3A_50] : memref<16x256xf32, #tpu.memory_space<vmem>> -> memref<16x128xf32, #tpu.memory_space<vmem>>
    tpu.enqueue_dma source(%dma_start3A_51 : memref<16x128xf32, #tpu.memory_space<vmem>>) target(%dma_start3A_48 : memref<16x128xf32, #tpu.memory_space<hbm>>) target_semaphore(%arg10 : memref<!tpu.dma_semaphore, #tpu.memory_space<semaphore_mem>>)
    %dma_wait3A_52 = arith.constant 0 : i32
    %dma_wait3A_53 = arith.constant 256 : i32
    %dma_wait3A_54 = tpu.memref_slice %arg6[%dma_wait3A_52, %dma_wait3A_53] : memref<16x384xf32, #tpu.memory_space<vmem>> -> memref<16x128xf32, #tpu.memory_space<vmem>>
    %dma_wait3A_55 = arith.constant 0 : i32
    %dma_wait3A_56 = tpu.memref_slice %arg3[%dma_wait3A_55, %add3A_16] : memref<16x100000xf32, #tpu.memory_space<hbm>> -> memref<16x128xf32, #tpu.memory_space<hbm>>
    %dma_wait3A_57 = arith.constant 0 : i32
    %dma_wait3A_58 = arith.constant 256 : i32
    %dma_wait3A_59 = tpu.memref_slice %arg6[%dma_wait3A_57, %dma_wait3A_58] : memref<16x384xf32, #tpu.memory_space<vmem>> -> memref<16x128xf32, #tpu.memory_space<vmem>>
    %dma_wait3A_60 = arith.constant 0 : i32
    %dma_wait3A_61 = tpu.memref_slice %arg3[%dma_wait3A_60, %add3A_16] : memref<16x100000xf32, #tpu.memory_space<hbm>> -> memref<16x128xf32, #tpu.memory_space<hbm>>
    tpu.wait_dma2 semaphore(%arg9 : memref<!tpu.dma_semaphore, #tpu.memory_space<semaphore_mem>>) src(%dma_wait3A_61 : memref<16x128xf32, #tpu.memory_space<hbm>>) dst(%dma_wait3A_59 : memref<16x128xf32, #tpu.memory_space<vmem>>)
    %scan3A_62 = arith.constant 0 : i32
    %scan3A_63 = arith.constant 0 : i32
    %scan3A_64 = arith.constant 16 : i32
    %scan3A_65 = arith.addi %scan3A_63, %scan3A_64 : i32
    %scan3A_66 = arith.constant 1 : i32
    scf.for %scan3A_80 = %scan3A_63 to %scan3A_65 step %scan3A_66  : i32 {
      %broadcast_in_dim3A_81 = vector.broadcast %scan3A_80 : i32 to vector<16xi32>
      %add3A_82 = arith.constant 128 : i32
      %add3A_83 = vector.broadcast %add3A_82 : i32 to vector<16xi32>
      %add3A_84 = arith.addi %add3A_27, %add3A_83 : vector<16xi32>
      %gather3A = tpu.vector_load_idx %arg6[%broadcast_in_dim3A_81, %add3A_84] : memref<16x384xf32, #tpu.memory_space<vmem>>[vector<16xi32>, vector<16xi32>], vector<16xf32>,
      %swap3A = arith.index_cast %scan3A_80 : i32 to index
      %swap3A_85 = arith.constant 128 : index
      %swap3A_86 = tpu.vector_load %arg7[%swap3A, %swap3A_85] {strides = array<i32>} : memref<16x256xf32, #tpu.memory_space<vmem>>, vector<16xf32>,
      tpu.vector_store %arg7[%swap3A, %swap3A_85], %gather3A {strides = array<i32>} : memref<16x256xf32, #tpu.memory_space<vmem>>, vector<16xf32>,
      %add3A_87 = arith.constant 144 : i32
      %add3A_88 = vector.broadcast %add3A_87 : i32 to vector<16xi32>
      %add3A_89 = arith.addi %add3A_27, %add3A_88 : vector<16xi32>
      %gather3A_90 = tpu.vector_load_idx %arg6[%broadcast_in_dim3A_81, %add3A_89] : memref<16x384xf32, #tpu.memory_space<vmem>>[vector<16xi32>, vector<16xi32>], vector<16xf32>,
      %swap3A_91 = arith.index_cast %scan3A_80 : i32 to index
      %swap3A_92 = arith.constant 144 : index
      %swap3A_93 = tpu.vector_load %arg7[%swap3A_91, %swap3A_92] {strides = array<i32>} : memref<16x256xf32, #tpu.memory_space<vmem>>, vector<16xf32>,
      tpu.vector_store %arg7[%swap3A_91, %swap3A_92], %gather3A_90 {strides = array<i32>} : memref<16x256xf32, #tpu.memory_space<vmem>>, vector<16xf32>,
      %add3A_94 = arith.constant 160 : i32
      %add3A_95 = vector.broadcast %add3A_94 : i32 to vector<16xi32>
      %add3A_96 = arith.addi %add3A_27, %add3A_95 : vector<16xi32>
      %gather3A_97 = tpu.vector_load_idx %arg6[%broadcast_in_dim3A_81, %add3A_96] : memref<16x384xf32, #tpu.memory_space<vmem>>[vector<16xi32>, vector<16xi32>], vector<16xf32>,
      %swap3A_98 = arith.index_cast %scan3A_80 : i32 to index
      %swap3A_99 = arith.constant 160 : index
      %swap3A_100 = tpu.vector_load %arg7[%swap3A_98, %swap3A_99] {strides = array<i32>} : memref<16x256xf32, #tpu.memory_space<vmem>>, vector<16xf32>,
      tpu.vector_store %arg7[%swap3A_98, %swap3A_99], %gather3A_97 {strides = array<i32>} : memref<16x256xf32, #tpu.memory_space<vmem>>, vector<16xf32>,
      %add3A_101 = arith.constant 176 : i32
      %add3A_102 = vector.broadcast %add3A_101 : i32 to vector<16xi32>
      %add3A_103 = arith.addi %add3A_27, %add3A_102 : vector<16xi32>
      %gather3A_104 = tpu.vector_load_idx %arg6[%broadcast_in_dim3A_81, %add3A_103] : memref<16x384xf32, #tpu.memory_space<vmem>>[vector<16xi32>, vector<16xi32>], vector<16xf32>,
      %swap3A_105 = arith.index_cast %scan3A_80 : i32 to index
      %swap3A_106 = arith.constant 176 : index
      %swap3A_107 = tpu.vector_load %arg7[%swap3A_105, %swap3A_106] {strides = array<i32>} : memref<16x256xf32, #tpu.memory_space<vmem>>, vector<16xf32>,
      tpu.vector_store %arg7[%swap3A_105, %swap3A_106], %gather3A_104 {strides = array<i32>} : memref<16x256xf32, #tpu.memory_space<vmem>>, vector<16xf32>,
      %add3A_108 = arith.constant 192 : i32
      %add3A_109 = vector.broadcast %add3A_108 : i32 to vector<16xi32>
      %add3A_110 = arith.addi %add3A_27, %add3A_109 : vector<16xi32>
      %gather3A_111 = tpu.vector_load_idx %arg6[%broadcast_in_dim3A_81, %add3A_110] : memref<16x384xf32, #tpu.memory_space<vmem>>[vector<16xi32>, vector<16xi32>], vector<16xf32>,
      %swap3A_112 = arith.index_cast %scan3A_80 : i32 to index
      %swap3A_113 = arith.constant 192 : index
      %swap3A_114 = tpu.vector_load %arg7[%swap3A_112, %swap3A_113] {strides = array<i32>} : memref<16x256xf32, #tpu.memory_space<vmem>>, vector<16xf32>,
      tpu.vector_store %arg7[%swap3A_112, %swap3A_113], %gather3A_111 {strides = array<i32>} : memref<16x256xf32, #tpu.memory_space<vmem>>, vector<16xf32>,
      %add3A_115 = arith.constant 208 : i32
      %add3A_116 = vector.broadcast %add3A_115 : i32 to vector<16xi32>
      %add3A_117 = arith.addi %add3A_27, %add3A_116 : vector<16xi32>
      %gather3A_118 = tpu.vector_load_idx %arg6[%broadcast_in_dim3A_81, %add3A_117] : memref<16x384xf32, #tpu.memory_space<vmem>>[vector<16xi32>, vector<16xi32>], vector<16xf32>,
      %swap3A_119 = arith.index_cast %scan3A_80 : i32 to index
      %swap3A_120 = arith.constant 208 : index
      %swap3A_121 = tpu.vector_load %arg7[%swap3A_119, %swap3A_120] {strides = array<i32>} : memref<16x256xf32, #tpu.memory_space<vmem>>, vector<16xf32>,
      tpu.vector_store %arg7[%swap3A_119, %swap3A_120], %gather3A_118 {strides = array<i32>} : memref<16x256xf32, #tpu.memory_space<vmem>>, vector<16xf32>,
      %add3A_122 = arith.constant 224 : i32
      %add3A_123 = vector.broadcast %add3A_122 : i32 to vector<16xi32>
      %add3A_124 = arith.addi %add3A_27, %add3A_123 : vector<16xi32>
      %gather3A_125 = tpu.vector_load_idx %arg6[%broadcast_in_dim3A_81, %add3A_124] : memref<16x384xf32, #tpu.memory_space<vmem>>[vector<16xi32>, vector<16xi32>], vector<16xf32>,
      %swap3A_126 = arith.index_cast %scan3A_80 : i32 to index
      %swap3A_127 = arith.constant 224 : index
      %swap3A_128 = tpu.vector_load %arg7[%swap3A_126, %swap3A_127] {strides = array<i32>} : memref<16x256xf32, #tpu.memory_space<vmem>>, vector<16xf32>,
      tpu.vector_store %arg7[%swap3A_126, %swap3A_127], %gather3A_125 {strides = array<i32>} : memref<16x256xf32, #tpu.memory_space<vmem>>, vector<16xf32>,
      %add3A_129 = arith.constant 240 : i32
      %add3A_130 = vector.broadcast %add3A_129 : i32 to vector<16xi32>
      %add3A_131 = arith.addi %add3A_27, %add3A_130 : vector<16xi32>
      %gather3A_132 = tpu.vector_load_idx %arg6[%broadcast_in_dim3A_81, %add3A_131] : memref<16x384xf32, #tpu.memory_space<vmem>>[vector<16xi32>, vector<16xi32>], vector<16xf32>,
      %swap3A_133 = arith.index_cast %scan3A_80 : i32 to index
      %swap3A_134 = arith.constant 240 : index
      %swap3A_135 = tpu.vector_load %arg7[%swap3A_133, %swap3A_134] {strides = array<i32>} : memref<16x256xf32, #tpu.memory_space<vmem>>, vector<16xf32>,
      tpu.vector_store %arg7[%swap3A_133, %swap3A_134], %gather3A_132 {strides = array<i32>} : memref<16x256xf32, #tpu.memory_space<vmem>>, vector<16xf32>,
    }
    %scan3A_67 = arith.constant 16 : i32
    %dma_wait3A_68 = arith.constant 0 : i32
    %dma_wait3A_69 = arith.constant 0 : i32
    %dma_wait3A_70 = tpu.memref_slice %arg7[%dma_wait3A_68, %dma_wait3A_69] : memref<16x256xf32, #tpu.memory_space<vmem>> -> memref<16x128xf32, #tpu.memory_space<vmem>>
    %dma_wait3A_71 = arith.constant 0 : i32
    %dma_wait3A_72 = tpu.memref_slice %arg4[%dma_wait3A_71, %mul3A_2] : memref<16x8192xf32, #tpu.memory_space<hbm>> -> memref<16x128xf32, #tpu.memory_space<hbm>>
    %dma_wait3A_73 = arith.constant 0 : i32
    %dma_wait3A_74 = tpu.memref_slice %arg4[%dma_wait3A_73, %mul3A_2] : memref<16x8192xf32, #tpu.memory_space<hbm>> -> memref<16x128xf32, #tpu.memory_space<hbm>>
    %dma_wait3A_75 = arith.constant 0 : i32
    %dma_wait3A_76 = arith.constant 0 : i32
    %dma_wait3A_77 = tpu.memref_slice %arg7[%dma_wait3A_75, %dma_wait3A_76] : memref<16x256xf32, #tpu.memory_space<vmem>> -> memref<16x128xf32, #tpu.memory_space<vmem>>
    tpu.wait_dma2 semaphore(%arg10 : memref<!tpu.dma_semaphore, #tpu.memory_space<semaphore_mem>>) src(%dma_wait3A_77 : memref<16x128xf32, #tpu.memory_space<vmem>>) dst(%dma_wait3A_74 : memref<16x128xf32, #tpu.memory_space<hbm>>)
    %add3A_78 = arith.constant 128 : i32
    %add3A_79 = arith.addi %mul3A_2, %add3A_78 : i32
    "tpu.region"() ({
      %run_scoped3A = tpu.sem_alloc : memref<!tpu.dma_semaphore, #tpu.memory_space<semaphore_mem>>
      %dma_start3A_80 = arith.constant 0 : i32
      %dma_start3A_81 = arith.constant 128 : i32
      %dma_start3A_82 = tpu.memref_slice %arg7[%dma_start3A_80, %dma_start3A_81] : memref<16x256xf32, #tpu.memory_space<vmem>> -> memref<16x128xf32, #tpu.memory_space<vmem>>
      %dma_start3A_83 = arith.constant 0 : i32
      %dma_start3A_84 = tpu.memref_slice %arg4[%dma_start3A_83, %add3A_79] : memref<16x8192xf32, #tpu.memory_space<hbm>> -> memref<16x128xf32, #tpu.memory_space<hbm>>
      %dma_start3A_85 = arith.constant 0 : i32
      %dma_start3A_86 = tpu.memref_slice %arg4[%dma_start3A_85, %add3A_79] : memref<16x8192xf32, #tpu.memory_space<hbm>> -> memref<16x128xf32, #tpu.memory_space<hbm>>
      %dma_start3A_87 = arith.constant 0 : i32
      %dma_start3A_88 = arith.constant 128 : i32
      %dma_start3A_89 = tpu.memref_slice %arg7[%dma_start3A_87, %dma_start3A_88] : memref<16x256xf32, #tpu.memory_space<vmem>> -> memref<16x128xf32, #tpu.memory_space<vmem>>
      tpu.enqueue_dma source(%dma_start3A_89 : memref<16x128xf32, #tpu.memory_space<vmem>>) target(%dma_start3A_86 : memref<16x128xf32, #tpu.memory_space<hbm>>) target_semaphore(%run_scoped3A : memref<!tpu.dma_semaphore, #tpu.memory_space<semaphore_mem>>)
      %dma_wait3A_90 = arith.constant 0 : i32
      %dma_wait3A_91 = arith.constant 128 : i32
      %dma_wait3A_92 = tpu.memref_slice %arg7[%dma_wait3A_90, %dma_wait3A_91] : memref<16x256xf32, #tpu.memory_space<vmem>> -> memref<16x128xf32, #tpu.memory_space<vmem>>
      %dma_wait3A_93 = arith.constant 0 : i32
      %dma_wait3A_94 = tpu.memref_slice %arg4[%dma_wait3A_93, %add3A_79] : memref<16x8192xf32, #tpu.memory_space<hbm>> -> memref<16x128xf32, #tpu.memory_space<hbm>>
      %dma_wait3A_95 = arith.constant 0 : i32
      %dma_wait3A_96 = tpu.memref_slice %arg4[%dma_wait3A_95, %add3A_79] : memref<16x8192xf32, #tpu.memory_space<hbm>> -> memref<16x128xf32, #tpu.memory_space<hbm>>
      %dma_wait3A_97 = arith.constant 0 : i32
      %dma_wait3A_98 = arith.constant 128 : i32
      %dma_wait3A_99 = tpu.memref_slice %arg7[%dma_wait3A_97, %dma_wait3A_98] : memref<16x256xf32, #tpu.memory_space<vmem>> -> memref<16x128xf32, #tpu.memory_space<vmem>>
      tpu.wait_dma2 semaphore(%run_scoped3A : memref<!tpu.dma_semaphore, #tpu.memory_space<semaphore_mem>>) src(%dma_wait3A_99 : memref<16x128xf32, #tpu.memory_space<vmem>>) dst(%dma_wait3A_96 : memref<16x128xf32, #tpu.memory_space<hbm>>)
      tpu.yield
    }) : () -> ()
    return
  }
}

</mosaic_0001>

<sc_bundles>
// kernel: kernel.3.cloned.1.call-start
scs
__scs_entry_jumppad:
0x0: {  	(pc) =	sbr.rel $0x88, $3  }
0x1: {  	(tag) =	ssettag $0x0;
	lr =	simm.s32 $0x1  }
0x2: {  	[smem:$0x3F9F] =	sst lr;
	_ =	strace $0xD0000000  }
0x3: {  	_ = 	snop  }
0x4: {  	_ = 	snop  }
0x5: {  	_ = 	snop  }
0x6: {  	_ = 	snop  }
0x7: {  	_ = 	snop  }
__scs_overlays_trampoline_lowered:
0x8: {  	[smem:$0x3FAE] =	sst s0  }
0x9: {  	[smem:$0x3FAF] =	sst s1  }
0xa: {  	[smem:$0x3FB0] =	sst s2  }
0xb: {  	[smem:$0x3FB1] =	sst s3  }
0xc: {  	[smem:$0x3FB2] =	sst s4  }
0xd: {  	[smem:$0x3FB3] =	sst s5  }
0xe: {  	[smem:$0x3FB4] =	sst s6  }
0xf: {  	[smem:$0x3FB5] =	sst s7  }
0x10: {  	[smem:$0x3FB6] =	sst s8  }
0x11: {  	[smem:$0x3FB7] =	sst s9;
	s0 =	simm.s32 @!p0 $0x0  }
0x12: {  	s1 =	sld [smem:$0x3F9D];
	s0 =	simm.s32 @p0 $0x1  }
0x13: {  	[smem:$0x3FB8] =	sst s0;
	s0 =	simm.s32 @!p1 $0x0  }
0x14: {  	s2 =	sld [smem:$0x3F9C];
	s0 =	simm.s32 @p1 $0x1  }
0x15: {  	[smem:$0x3FB9] =	sst s0;
	s0 =	simm.s32 @!p2 $0x0  }
0x16: {  	s3 =	sld [smem:$0x3FDB];
	s0 =	simm.s32 @p2 $0x1  }
0x17: {  	s4 =	simm.s32 $0x1BF5;
	[smem:$0x3FBB] =	sst s0  }
0x18: {  	s0 =	sld [smem:$0x3F9E];
	_ =	swait.ge [sflag:s4], $0x0  }
0x19: {  	s7 =	sld [smem:$0x3F9F]  }
0x1a: {  	s8 =	sadd.s32 $0xFFFFE003, lr  }
0x1b: {  	s9 =	sadd.s32 $0xFFFFFEF7, lr;
	s5 =	simm.s32 $0xFFFFFFFF;
	p2 =	slt.u32 s8, $0xFFFFF086  }
0x1c: {  	p1 =	slt.u32 s9, $0xF7A;
	s5 =	simm.s32 @!p2 $0x0  }
0x1d: {  	s5 =	simm.s32 @p1 $0x1;
	p0 =	seq.s32 s7, s2  }
0x1e: {  	s7 =	smul.u32 @!p0 $0xF7A, s2;
	p2 =	seq.s32 @!p0 s5, $0x0  }
0x1f: {  	s9 =	smul.u32 $0xF7A, s1;
	s8 =	simm.s32 @!p0 $0x1BF5;
	p2 =	por !p2, p0  }
0x20: {  	[sflag:s8] =	ssyncset.s32 @!p0 $0xFFFFF086;
	s6 =	sadd.s32 @!p0 s3, s7;
	s7 =	simm.s32 @!p0 $0x108  }
0x21: {  	s3 =	sadd.s32 s3, s9;
	s6 =	sadd.s32 @!p0 $0x88, s6;
	s7 =	simm.s32 @p2 $0x1082  }
0x22: {  	[simem:s7], [sflag:s8] =	dma.local @!p0 [hbm:s6], $0xF7A  }
0x23: {  	s9 =	sor.u32 $0xD0000000, s2;
	s6 =	simm.s32 $0x108;
	_ =	swait.ge @!p0 [sflag:s8], $0x0  }
0x24: {  	s3 =	sadd.s32 $0x88, s3;
	s6 =	simm.s32 @!p1 $0x1082;
	[sflag:s4] =	ssyncset.s32 $0xFFFFF086  }
0x25: {  	[simem:s6], [sflag:s4] =	dma.local [hbm:s3], $0xF7A  }
0x26: {  	[smem:$0x3F9F] =	sst s1;
	(tag) =	ssettag s2;
	_ =	strace s9  }
0x27: {  	s1 =	sld [smem:$0x3FAF]  }
0x28: {  	s2 =	sld [smem:$0x3FB0]  }
0x29: {  	s4 =	sld [smem:$0x3FB2]  }
0x2a: {  	p0 =	seq.s32 s5, $0x0;
	s5 =	sld [smem:$0x3FB3]  }
0x2b: {  	s6 =	sld [smem:$0x3FB4]  }
0x2c: {  	s7 =	sld [smem:$0x3FB5]  }
0x2d: {  	s3 =	simm.s32 $0x108;
	s8 =	sld [smem:$0x3FB6]  }
0x2e: {  	s3 =	simm.s32 @!p0 $0x1082;
	s9 =	sld [smem:$0x3FB7]  }
0x2f: {  	lr =	sadd.s32 s0, s3;
	s0 =	sld [smem:$0x3FAE]  }
0x30: {  	s3 =	sld [smem:$0x3FB1]  }
0x31: {  	[smem:$0x3FBA] =	sst s10  }
0x32: {  	s10 =	sld [smem:$0x3FB8];
	_ =	sdelay $0x3  }
0x33: {  	p0 =	seq.s32 s10, $0x1;
	s10 =	sld [smem:$0x3FBA];
	_ =	sdelay $0x3  }
0x34: {  	[smem:$0x3FBA] =	sst s10  }
0x35: {  	s10 =	sld [smem:$0x3FB9];
	_ =	sdelay $0x3  }
0x36: {  	p1 =	seq.s32 s10, $0x1;
	s10 =	sld [smem:$0x3FBA];
	_ =	sdelay $0x3  }
0x37: {  	[smem:$0x3FBA] =	sst s10  }
0x38: {  	s10 =	sld [smem:$0x3FBB]  }
0x39: {  	_ = 	snop;
	(pc) =	sbr.ind lr, $3  }
0x3a: {  	_ = 	snop  }
0x3b: {  	_ = 	snop  }
0x3c: {  	p2 =	seq.s32 s10, $0x1;
	s10 =	sld [smem:$0x3FBA]  }
0x3d: {  	_ =	shalt  }
0x3e: {  	_ =	shalt  }
0x3f: {  	_ =	shalt  }
0x40: {  	_ =	shalt  }
0x41: {  	_ =	shalt  }
0x42: {  	_ =	shalt  }
0x43: {  	_ =	shalt  }
0x44: {  	_ =	shalt  }
0x45: {  	_ =	shalt  }
0x46: {  	_ =	shalt  }
0x47: {  	_ =	shalt  }
0x48: {  	_ =	shalt  }
0x49: {  	_ =	shalt  }
0x4a: {  	_ =	shalt  }
0x4b: {  	_ =	shalt  }
0x4c: {  	_ =	shalt  }
0x4d: {  	_ =	shalt  }
0x4e: {  	_ =	shalt  }
0x4f: {  	_ =	shalt  }
0x50: {  	_ =	shalt  }
0x51: {  	_ =	shalt  }
0x52: {  	_ =	shalt  }
0x53: {  	_ =	shalt  }
0x54: {  	_ =	shalt  }
0x55: {  	_ =	shalt  }
0x56: {  	_ =	shalt  }
0x57: {  	_ =	shalt  }
0x58: {  	_ =	shalt  }
0x59: {  	_ =	shalt  }
0x5a: {  	_ =	shalt  }
0x5b: {  	_ =	shalt  }
0x5c: {  	_ =	shalt  }
0x5d: {  	_ =	shalt  }
0x5e: {  	_ =	shalt  }
0x5f: {  	_ =	shalt  }
0x60: {  	_ =	shalt  }
0x61: {  	_ =	shalt  }
0x62: {  	_ =	shalt  }
0x63: {  	_ =	shalt  }
0x64: {  	_ =	shalt  }
0x65: {  	_ =	shalt  }
0x66: {  	_ =	shalt  }
0x67: {  	_ =	shalt  }
0x68: {  	_ =	shalt  }
0x69: {  	_ =	shalt  }
0x6a: {  	_ =	shalt  }
0x6b: {  	_ =	shalt  }
0x6c: {  	_ =	shalt  }
0x6d: {  	_ =	shalt  }
0x6e: {  	_ =	shalt  }
0x6f: {  	_ =	shalt  }
0x70: {  	_ =	shalt  }
0x71: {  	_ =	shalt  }
0x72: {  	_ =	shalt  }
0x73: {  	_ =	shalt  }
0x74: {  	_ =	shalt  }
0x75: {  	_ =	shalt  }
0x76: {  	_ =	shalt  }
0x77: {  	_ =	shalt  }
0x78: {  	_ =	shalt  }
0x79: {  	_ =	shalt  }
0x7a: {  	_ =	shalt  }
0x7b: {  	_ =	shalt  }
0x7c: {  	_ =	shalt  }
0x7d: {  	_ =	shalt  }
0x7e: {  	_ =	shalt  }
0x7f: {  	_ =	shalt  }
0x80: {  	_ =	shalt  }
0x81: {  	_ =	shalt  }
0x82: {  	_ =	shalt  }
0x83: {  	_ =	shalt  }
0x84: {  	_ =	shalt  }
0x85: {  	_ =	shalt  }
0x86: {  	_ =	shalt  }
0x87: {  	_ =	shalt  }
.Lfunc_end0:
.L_simem_size_0:
called_computation_lowered:
.L_overlay_start_0:
0x88: {  	s2 =	sld [smem:$0x3FD9]  }
0x89: {  	s3 =	sld [smem:$0x3FFE];
	_ =	sdelay $0x1  }
0x8a: {  	s1 =	srdreg.scid  }
0x8b: {  	s0 =	sand.u32 $0x1, s1  }
0x8c: {  	s18 =	sshll.u32 s0, $0xA;
	s2 =	sadd.s32 s3, s2  }
0x8d: {  	s2 =	sadd.s32 s2, s18  }
0x8e: {  	[smem:$0x3FC6] =	sst s2  }
0x8f: {  	_ = 	snop  }
0x90: {  	s2 =	sld [smem:$0x3FC9]  }
0x91: {  	s19 =	sld [smem:$0x3FC8]  }
0x92: {  	s4 =	sld [smem:$0x3FD0];
	(tm) =	ssettm $0x1  }
0x93: {  	s5 =	sld [smem:$0x3FFB];
	_ =	sdelay $0x3  }
0x94: {  	_ =	strace s5  }
0x95: {  	s5 =	sld [smem:$0x3FFC];
	_ =	sdelay $0x3  }
0x96: {  	_ =	strace s5  }
0x97: {  	s5 =	sld [smem:$0x3FFD];
	_ =	sdelay $0x3  }
0x98: {  	_ =	strace s5  }
0x99: {  	_ =	strace $0x8FFFFFFF  }
0x9a: {  	s20 =	sld [smem:$0x3FDB];
	_ =	sdelay $0x1  }
0x9b: {  	s6 =	simm.s32 $_scs_section_size  }
0x9c: {  	s7 =	simm.s32 $_size__tile_overlayer_lowered;
	s8 =	simm.s32 $_tile_overlayer_lowered  }
0x9d: {  	s23 =	simm.s32 $0x1BFF;
	s22 =	sshll.u32 s8, $0x1;
	s5 =	sadd.s32 s6, s20  }
0x9e: {  	s9 =	simm.s32 $0x0;
	s21 =	sshll.u32 s7, $0x1;
	s7 =	sadd.s32 s22, s5  }
0x9f: {  	[timem:s9], [sflag:s23] =	dma.local [hbm:s7], s21  }
0xa0: {  	_ =	swait.ge [sflag:s23], s21  }
0xa1: {  	s6 =	ssub.s32 $0x0, s21;
	[sflag:s23] =	ssyncset.done $0x0  }
0xa2: {  	[sflag:s23] =	ssyncadd.s32 s6;
	_ =	sdelay $0x1  }
0xa3: {  	s24 =	simm.s32 $0x1B8B  }
0xa4: {  	_ =	swait.ge [sflag:s24], $0x1  }
0xa5: {  	[sflag:s24] =	ssyncset.done $0x0  }
0xa6: {  	s25 =	simm.s32 $0x1B8E;
	[sflag:s24] =	ssyncadd.s32 $0xFFFFFFFF  }
0xa7: {  	s26 =	simm.s32 $execute0_lowered;
	[smem:$0x3FD2] =	sst s25  }
0xa8: {  	s6 =	sshll.u32 s26, $0x1;
	_ =	strace $0x80000046;
	[dreg:$0x1] =	wrdreg $0xFFFFFFFF  }
0xa9: {  	s28 =	simm.s32 $_size_execute0_lowered;
	s5 =	sadd.s32 s5, s6;
	[dreg:$0x0] =	wrdreg $0x0  }
0xaa: {  	s6 =	sshll.u32 s28, $0x1;
	[dreg:$0x2] =	wrdreg s5  }
0xab: {  	[dreg:$0x3] =	wrdreg s6  }
0xac: {  	[dreg:$0x4] =	wrdreg $0xC0  }
0xad: {  	_ =	task [dreg:s9], $0x5FFFF  }
0xae: {  	[dreg:$0x1] =	wrdreg $0xFFFFFFFF  }
0xaf: {  	[dreg:$0x0] =	wrdreg $0x60  }
0xb0: {  	[dreg:$0x2] =	wrdreg s2  }
0xb1: {  	[dreg:$0x3] =	wrdreg s19  }
0xb2: {  	[dreg:$0x4] =	wrdreg s4  }
0xb3: {  	[dreg:$0x5] =	wrdreg $0x9  }
0xb4: {  	_ =	task.clear_ibuf [dreg:s9], $0x6FFFF;
	_ =	strace $0x90000046  }
0xb5: {  	s29 =	simm.s32 $0x9;
	_ =	strace $0x80000048  }
0xb6: {  	_ =	swait.ge [sflag:s29], $0x1  }
0xb7: {  	[sflag:s29] =	ssyncadd.s32 $0xFFFFFFFF  }
0xb8: {  	_ =	strace $0x90000048  }
0xb9: {  	_ =	sfence  }
0xba: {  	s30 =	sld [smem:$0x0];
	_ =	sdelay $0x2  }
0xbb: {  	s31 =	sshll.u32 s1, $0xD;
	s1 =	sshrl.u32 s1, $0x2  }
0xbc: {  	s3 =	sand.u32 $0x4000, s31;
	s1 =	sadd.s32 s1, s30  }
0xbd: {  	s0 =	sor.u32 s3, s0;
	s1 =	sshll.u32 s1, $0x11  }
0xbe: {  	s0 =	sor.u32 s1, s0  }
0xbf: {  	s0 =	sadd.s32 $0x8F2B, s0  }
0xc0: {  	[sflag:s0] =	ssyncadd.remote.s32 $0x1  }
0xc1: {  	_ =	sfence.sel $0xFFFF  }
0xc2: {  	[dreg:$0x0] =	wrdreg $0xFFFFFFFF;
	(pc) =	sbr.abs _section_cstart, $3  }
0xc3: {  	[dreg:$0x1] =	wrdreg $0xFFFFFFFF  }
0xc4: {  	_ =	task.clear_ibuf [dreg:s9], $0x2FFFF;
	_ =	strace $0x9FFFFFFF  }
0xc5: {  	(tm) =	ssettm $0x7FFFFFFF  }
tec
execute0_lowered:
.L_overlay_start_1:
0x0: {  	(tag) =	ssettag $0x1  }
0x1: {  	s1 =	rddreg [dreg:$0x0]  }
0x2: {  	s3 =	rddreg [dreg:$0x1]  }
0x3: {  	s6 =	rddreg [dreg:$0x2];
	s4 =	srdreg.scid  }
0x4: {  	s0 =	rddreg [dreg:$0x3];
	s2 =	stileid.u32;
	s10 =	simm.s32 $0x80  }
0x5: {  	s11 =	simm.s32 $0xC80;
	s12 =	simm.s32 $0x880;
	s13 =	simm.s32 $0x1480  }
0x6: {  	s14 =	simm.s32 $0x1;
	s15 =	simm.s32 $0x1880;
	s17 =	simm.s32 $0x2080  }
0x7: {  	s18 =	simm.s32 $0x2;
	s19 =	simm.s32 $0x3;
	s20 =	simm.s32 $0x1C80  }
0x8: {  	v0 =	vlaneseq.u32;
	s21 =	simm.s32 $0x2480;
	s22 =	simm.s32 $0x0;
	s5 =	sand.u32 $0x1, s4  }
0x9: {  	s4 =	simm.s32 $0x0;
	s7 =	sshll.u32 s2, $0x9;
	s31 =	sadd.s32 $0x3FEA, s2;
	v1 =	vor.u32 $0x10, v0;
	v2 =	vor.u32 $0x20, v0;
	v3 =	vor.u32 $0x30, v0  }
0xa: {  	v4 =	vor.u32 $0x40, v0;
	v5 =	vor.u32 $0x50, v0;
	v6 =	vor.u32 $0x60, v0;
	s8 =	sshll.u32 s5, $0x8;
	[smem:$0x7FF] =	sst s4;
	s9 =	ssub.s32 $0x2, s5  }
0xb: {  	v7 =	vor.u32 $0x70, v0;
	v8 =	vor.u32 $0x80, v0;
	v9 =	vor.u32 $0x90, v0;
	s5 =	sor.u32 s8, s7;
	_ =	strace $0x80000047;
	s29 =	sshrl.u32 s9, $0x1  }
0xc: {  	v10 =	vor.u32 $0xA0, v0;
	v11 =	vor.u32 $0xB0, v0;
	v12 =	vor.u32 $0xC0, v0;
	s6 =	sadd.s32 s6, s5;
	s30 =	ssub.s32 s9, s29;
	s9 =	simm.s32 $0x4  }
0xd: {  	v13 =	vor.u32 $0xD0, v0;
	v14 =	vor.u32 $0xE0, v0;
	v15 =	vor.u32 $0xF0, v0;
	s7 =	sadd.s32 $0x80, s6;
	s8 =	smax.u32 s30, $0x1;
	s16 =	sadd.s32 $0x2000, s6  }
.LBB2_1:
0xe: {  	[tilespmem:s4], [sflag:$0x4] =	stream.linear.gather [hbm4b:s1+s4], $0x1, $0x38;
	[tilespmem:$0x2880] =	vst v63  }
0xf: {  	_ =	swait.ge [sflag:s9], $0x1  }
0x10: {  	[sflag:s9] =	ssyncset.done $0x0  }
0x11: {  	[sflag:s9] =	ssyncadd.s32 $0xFFFFFFFF  }
0x12: {  	v16 =	vld [tilespmem:$0x0];
	_ =	sdelay $0x4  }
0x13: {  	(v2sf) =	vpush v16, $0x0;
	_ =	sdelay $0xe  }
0x14: {  	s23 =	spop (v2sf)  }
0x15: {  	s24 =	sshra.s32 s23, $0x1F  }
0x16: {  	s24 =	sshrl.u32 s24, $0x19  }
0x17: {  	s24 =	sadd.s32 s24, s23  }
0x18: {  	s24 =	sand.u32 $0xFFFFFF80, s24  }
0x19: {  	s25 =	sadd.s32 s5, s24  }
0x1a: {  	s26 =	sand.u32 $0xFFFFF80, s25;
	s25 =	sshll.u32 s25, $0x3  }
0x1b: {  	s26 =	sadd.s32 s3, s26;
	s31 =	sand.u32 $0xFFFFFC00, s25  }
0x1c: {  	[tilespmem:s10], [sflag:$0x1] =	stream.linear.gather [hbm4b:s26+s4], $0x800, $0x38;
	[tilespmem:$0x2880] =	vst v63  }
0x1d: {  	s25 =	ssub.s32 s23, s24;
	s23 =	simm.s32 $0x0;
	s26 =	sadd.s32 $0x18700, s26  }
0x1e: {  	v16 =	vadd.s32 s25, v0;
	v18 =	vmov s23;
	[tilespmem:s11], [sflag:$0x1] =	stream.linear.gather [hbm4b:s26+s4], $0x800, $0x38;
	[tilespmem:$0x2880] =	vst v63  }
0x1f: {  	v17 =	vshll.u32 v16, $0x3;
	v19 =	vshrl.u32 v18, $0x3;
	s26 =	sadd.s32 $0x800, s31  }
0x20: {  	v16 =	vand.u32 $0x7F, v16;
	v17 =	vand.u32 $0xFFFFFC00, v17;
	v25 =	vmul.u32 $0xC00, v19;
	s24 =	sshrl.u32 s26, $0x3  }
0x21: {  	v17 =	vor.u32 v16, v17;
	v16 =	vshll.u32 v18, $0x7;
	s24 =	sadd.s32 s3, s24  }
0x22: {  	v26 =	vand.u32 $0x380, v16;
	v16 =	vadd.s32 v17, v25;
	[tilespmem:s12], [sflag:$0x2] =	stream.linear.gather [hbm4b:s24+s23], $0x400, $0x38;
	[tilespmem:$0x2880] =	vst v63  }
0x23: {  	s24 =	sadd.s32 $0x18700, s24;
	v16 =	vor.u32 v26, v16  }
0x24: {  	v18 =	vadd.s32 s25, v1;
	[tilespmem:s13], [sflag:$0x2] =	stream.linear.gather [hbm4b:s24+s23], $0x400, $0x38;
	[tilespmem:$0x2880] =	vst v63  }
0x25: {  	s28 =	sld [smem:$0x7FF];
	v19 =	vshll.u32 v18, $0x3;
	_ =	swait.ge [sflag:s14], $0x1000  }
0x26: {  	v18 =	vand.u32 $0x7F, v18;
	v19 =	vand.u32 $0xFFFFFC00, v19;
	[sflag:s14] =	ssyncset.done $0x0  }
0x27: {  	v18 =	vor.u32 v18, v19;
	[sflag:s14] =	ssyncadd.s32 $0xFFFFF000  }
0x28: {  	v19 =	vadd.s32 v18, v25;
	v16 =	vld.idx.msk [tilespmem:v16+s10+$0x0], $0xffff  }
0x29: {  	v20 =	vor.u32 v26, v19  }
0x2a: {  	v19 =	vadd.s32 s25, v2  }
0x2b: {  	s29 =	sand.u32 $0x800, s23;
	s30 =	sand.u32 $0x380, s23;
	v21 =	vshll.u32 v19, $0x3  }
0x2c: {  	s24 =	sor.u32 s30, s29;
	v19 =	vand.u32 $0x7F, v19;
	v21 =	vand.u32 $0xFFFFFC00, v21  }
0x2d: {  	v19 =	vor.u32 v19, v21;
	[tilespmem:s24+$0x1880] =	vst v16  }
0x2e: {  	v16 =	vld.idx.msk [tilespmem:v20+s10+$0x0], $0xffff;
	v20 =	vadd.s32 v19, v25  }
0x2f: {  	v21 =	vor.u32 v26, v20  }
0x30: {  	v20 =	vadd.s32 s25, v3  }
0x31: {  	v22 =	vshll.u32 v20, $0x3  }
0x32: {  	v20 =	vand.u32 $0x7F, v20;
	v22 =	vand.u32 $0xFFFFFC00, v22  }
0x33: {  	v20 =	vor.u32 v20, v22;
	[tilespmem:s24+$0x1890] =	vst v16  }
0x34: {  	v16 =	vld.idx.msk [tilespmem:v21+s10+$0x0], $0xffff;
	v21 =	vadd.s32 v20, v25  }
0x35: {  	v22 =	vor.u32 v26, v21  }
0x36: {  	v21 =	vadd.s32 s25, v4  }
0x37: {  	v23 =	vshll.u32 v21, $0x3  }
0x38: {  	v21 =	vand.u32 $0x7F, v21;
	v23 =	vand.u32 $0xFFFFFC00, v23  }
0x39: {  	v21 =	vor.u32 v21, v23;
	[tilespmem:s24+$0x18A0] =	vst v16  }
0x3a: {  	v16 =	vld.idx.msk [tilespmem:v22+s10+$0x0], $0xffff;
	v22 =	vadd.s32 v21, v25  }
0x3b: {  	v23 =	vor.u32 v26, v22  }
0x3c: {  	v22 =	vadd.s32 s25, v5  }
0x3d: {  	v24 =	vshll.u32 v22, $0x3  }
0x3e: {  	v22 =	vand.u32 $0x7F, v22;
	v24 =	vand.u32 $0xFFFFFC00, v24  }
0x3f: {  	v22 =	vor.u32 v22, v24;
	[tilespmem:s24+$0x18B0] =	vst v16  }
0x40: {  	v16 =	vld.idx.msk [tilespmem:v23+s10+$0x0], $0xffff;
	v23 =	vadd.s32 v22, v25  }
0x41: {  	v24 =	vor.u32 v26, v23  }
0x42: {  	v23 =	vadd.s32 s25, v6  }
0x43: {  	v27 =	vshll.u32 v23, $0x3  }
0x44: {  	v23 =	vand.u32 $0x7F, v23;
	v27 =	vand.u32 $0xFFFFFC00, v27  }
0x45: {  	v23 =	vor.u32 v23, v27;
	[tilespmem:s24+$0x18C0] =	vst v16  }
0x46: {  	v16 =	vld.idx.msk [tilespmem:v24+s10+$0x0], $0xffff;
	v24 =	vadd.s32 v23, v25  }
0x47: {  	v28 =	vor.u32 v26, v24  }
0x48: {  	v27 =	vadd.s32 s25, v7  }
0x49: {  	v24 =	vshll.u32 v27, $0x3  }
0x4a: {  	v27 =	vand.u32 $0x7F, v27;
	v24 =	vand.u32 $0xFFFFFC00, v24  }
0x4b: {  	v24 =	vor.u32 v27, v24;
	[tilespmem:s24+$0x18D0] =	vst v16  }
0x4c: {  	v27 =	vadd.s32 v24, v25;
	v25 =	vld.idx.msk [tilespmem:v28+s10+$0x0], $0xffff  }
0x4d: {  	v26 =	vor.u32 v26, v27  }
0x4e: {  	s31 =	simm.s32 $0x1  }
0x4f: {  	s26 =	simm.s32 $0x2;
	v16 =	vmov s25;
	v27 =	vmov s31;
	s25 =	simm.s32 $0x0  }
.LBB2_2:
0x50: {  	p0 =	sne.s32 s26, $0xF;
	v28 =	vshrl.u32 v27, $0x3  }
0x51: {  	v28 =	vmul.u32 $0xC00, v28;
	[tilespmem:s24+$0x18E0] =	vst v25  }
0x52: {  	v25 =	vshll.u32 v27, $0x7;
	v26 =	vld.idx.msk [tilespmem:v26+s10+$0x0], $0xffff  }
0x53: {  	v27 =	vand.u32 $0x380, v25;
	v25 =	vadd.s32 v17, v28  }
0x54: {  	v25 =	vor.u32 v27, v25;
	_ =	sdelay $0x3  }
0x55: {  	[tilespmem:s24+$0x18F0] =	vst v26  }
0x56: {  	v25 =	vld.idx.msk [tilespmem:v25+s10+$0x0], $0xffff  }
0x57: {  	v26 =	vadd.s32 v18, v28  }
0x58: {  	v26 =	vor.u32 v27, v26  }
0x59: {  	s23 =	sadd.s32 $0x80, s23;
	s25 =	sadd.s32 $0x100, s25  }
0x5a: {  	s28 =	sand.u32 $0x380, s23;
	s24 =	sand.u32 $0x800, s25  }
0x5b: {  	s24 =	sor.u32 s28, s24  }
0x5c: {  	[tilespmem:s24+$0x1880] =	vst v25  }
0x5d: {  	v25 =	vld.idx.msk [tilespmem:v26+s10+$0x0], $0xffff  }
0x5e: {  	v26 =	vadd.s32 v19, v28  }
0x5f: {  	v26 =	vor.u32 v27, v26;
	_ =	sdelay $0x3  }
0x60: {  	[tilespmem:s24+$0x1890] =	vst v25  }
0x61: {  	v25 =	vld.idx.msk [tilespmem:v26+s10+$0x0], $0xffff  }
0x62: {  	v26 =	vadd.s32 v20, v28  }
0x63: {  	v26 =	vor.u32 v27, v26;
	_ =	sdelay $0x3  }
0x64: {  	[tilespmem:s24+$0x18A0] =	vst v25  }
0x65: {  	v25 =	vld.idx.msk [tilespmem:v26+s10+$0x0], $0xffff  }
0x66: {  	v26 =	vadd.s32 v21, v28  }
0x67: {  	v26 =	vor.u32 v27, v26;
	_ =	sdelay $0x3  }
0x68: {  	[tilespmem:s24+$0x18B0] =	vst v25  }
0x69: {  	v25 =	vld.idx.msk [tilespmem:v26+s10+$0x0], $0xffff  }
0x6a: {  	v26 =	vadd.s32 v22, v28  }
0x6b: {  	v26 =	vor.u32 v27, v26;
	_ =	sdelay $0x3  }
0x6c: {  	[tilespmem:s24+$0x18C0] =	vst v25  }
0x6d: {  	v25 =	vld.idx.msk [tilespmem:v26+s10+$0x0], $0xffff  }
0x6e: {  	v26 =	vadd.s32 v23, v28  }
0x6f: {  	v26 =	vor.u32 v27, v26;
	_ =	sdelay $0x3  }
0x70: {  	[tilespmem:s24+$0x18D0] =	vst v25  }
.Ltmp0:
0x71: {  	v25 =	vld.idx.msk [tilespmem:v26+s10+$0x0], $0xffff;
	(pc) =	sbr.rel @p0 .LBB2_2-.Ltmp0, $3  }
0x72: {  	v26 =	vadd.s32 v24, v28  }
0x73: {  	v26 =	vor.u32 v27, v26;
	_ =	sdelay $0x1  }
0x74: {  	v27 =	vmov s26;
	s26 =	sadd.s32 $0x1, s26  }
0x75: {  	_ = 	snop  }
0x76: {  	v28 =	vshrl.u32 v27, $0x3  }
0x77: {  	v28 =	vmul.u32 $0xC00, v28  }
0x78: {  	[tilespmem:s24+$0x18E0] =	vst v25;
	v25 =	vshll.u32 v27, $0x7  }
0x79: {  	v26 =	vld.idx.msk [tilespmem:v26+s10+$0x0], $0xffff;
	v25 =	vand.u32 $0x380, v25;
	v17 =	vadd.s32 v17, v28  }
0x7a: {  	v17 =	vor.u32 v25, v17;
	_ =	sdelay $0x3  }
0x7b: {  	[tilespmem:s24+$0x18F0] =	vst v26  }
0x7c: {  	v18 =	vadd.s32 v18, v28;
	v17 =	vld.idx.msk [tilespmem:v17+s10+$0x0], $0xffff  }
0x7d: {  	v18 =	vor.u32 v25, v18  }
0x7e: {  	s23 =	sadd.s32 $0x80, s23;
	s28 =	sadd.s32 $0x100, s25  }
0x7f: {  	s23 =	sand.u32 $0x380, s23;
	s24 =	sand.u32 $0x800, s28  }
0x80: {  	s24 =	sor.u32 s23, s24  }
0x81: {  	[tilespmem:s24+$0x1880] =	vst v17  }
0x82: {  	v17 =	vld.idx.msk [tilespmem:v18+s10+$0x0], $0xffff;
	v18 =	vadd.s32 v19, v28  }
0x83: {  	v18 =	vor.u32 v25, v18;
	_ =	sdelay $0x3  }
0x84: {  	[tilespmem:s24+$0x1890] =	vst v17  }
0x85: {  	v17 =	vld.idx.msk [tilespmem:v18+s10+$0x0], $0xffff;
	v18 =	vadd.s32 v20, v28  }
0x86: {  	v18 =	vor.u32 v25, v18;
	_ =	sdelay $0x3  }
0x87: {  	[tilespmem:s24+$0x18A0] =	vst v17  }
0x88: {  	v17 =	vld.idx.msk [tilespmem:v18+s10+$0x0], $0xffff;
	v18 =	vadd.s32 v21, v28  }
0x89: {  	v18 =	vor.u32 v25, v18;
	_ =	sdelay $0x3  }
0x8a: {  	[tilespmem:s24+$0x18B0] =	vst v17  }
0x8b: {  	v17 =	vld.idx.msk [tilespmem:v18+s10+$0x0], $0xffff;
	v18 =	vadd.s32 v22, v28  }
0x8c: {  	v18 =	vor.u32 v25, v18;
	_ =	sdelay $0x3  }
0x8d: {  	[tilespmem:s24+$0x18C0] =	vst v17  }
0x8e: {  	v17 =	vld.idx.msk [tilespmem:v18+s10+$0x0], $0xffff;
	v18 =	vadd.s32 v23, v28  }
0x8f: {  	v18 =	vor.u32 v25, v18;
	_ =	sdelay $0x3  }
0x90: {  	[tilespmem:s24+$0x18D0] =	vst v17  }
0x91: {  	v17 =	vld.idx.msk [tilespmem:v18+s10+$0x0], $0xffff;
	v18 =	vadd.s32 v24, v28  }
0x92: {  	v18 =	vor.u32 v25, v18;
	_ =	sdelay $0x3  }
0x93: {  	[tilespmem:s24+$0x18E0] =	vst v17  }
0x94: {  	v17 =	vld.idx.msk [tilespmem:v18+s10+$0x0], $0xffff  }
0x95: {  	s23 =	simm.s32 $0x0  }
0x96: {  	v19 =	vmov s23;
	v18 =	vadd.s32 v8, v16  }
0x97: {  	v21 =	vshrl.u32 v19, $0x3;
	v20 =	vshll.u32 v18, $0x3  }
0x98: {  	v24 =	vmul.u32 $0xC00, v21;
	v18 =	vand.u32 $0x7F, v18;
	v20 =	vand.u32 $0xFFFFFC00, v20  }
0x99: {  	[tilespmem:s24+$0x18F0] =	vst v17;
	v17 =	vor.u32 v18, v20;
	v18 =	vshll.u32 v19, $0x7  }
0x9a: {  	[hbm4b:s6+s23] =	stream.linear.scatter [tilespmem:s15], [sflag:$0x3], $0x400, $0x38;
	v25 =	vand.u32 $0x380, v18;
	v18 =	vadd.s32 v17, v24;
	[tilespmem:$0x2880] =	vst v63  }
0x9b: {  	v19 =	vor.u32 v25, v18  }
0x9c: {  	v18 =	vadd.s32 v9, v16;
	[hbm4b:s16+s23] =	stream.linear.scatter [tilespmem:s17], [sflag:$0x3], $0x400, $0x38;
	[tilespmem:$0x2880] =	vst v63  }
0x9d: {  	v20 =	vshll.u32 v18, $0x3;
	_ =	swait.ge [sflag:s18], $0x800  }
0x9e: {  	v18 =	vand.u32 $0x7F, v18;
	v20 =	vand.u32 $0xFFFFFC00, v20;
	[sflag:s18] =	ssyncset.done $0x0  }
0x9f: {  	v18 =	vor.u32 v18, v20;
	[sflag:s18] =	ssyncadd.s32 $0xFFFFF800  }
0xa0: {  	v20 =	vld.idx.msk [tilespmem:v19+s10+$0x0], $0xffff;
	v19 =	vadd.s32 v18, v24  }
0xa1: {  	v21 =	vor.u32 v25, v19  }
0xa2: {  	v19 =	vadd.s32 v10, v16  }
0xa3: {  	s29 =	sand.u32 $0x800, s23;
	s30 =	sand.u32 $0x380, s23;
	v22 =	vshll.u32 v19, $0x3  }
0xa4: {  	s24 =	sor.u32 s30, s29;
	v19 =	vand.u32 $0x7F, v19;
	v22 =	vand.u32 $0xFFFFFC00, v22  }
0xa5: {  	v19 =	vor.u32 v19, v22;
	[tilespmem:s24+$0x1C80] =	vst v20  }
0xa6: {  	v20 =	vadd.s32 v19, v24;
	v21 =	vld.idx.msk [tilespmem:v21+s10+$0x0], $0xffff  }
0xa7: {  	v22 =	vor.u32 v25, v20  }
0xa8: {  	v20 =	vadd.s32 v11, v16  }
0xa9: {  	v23 =	vshll.u32 v20, $0x3  }
0xaa: {  	v20 =	vand.u32 $0x7F, v20;
	v23 =	vand.u32 $0xFFFFFC00, v23  }
0xab: {  	v20 =	vor.u32 v20, v23;
	[tilespmem:s24+$0x1C90] =	vst v21  }
0xac: {  	v21 =	vadd.s32 v20, v24;
	v22 =	vld.idx.msk [tilespmem:v22+s10+$0x0], $0xffff  }
0xad: {  	v23 =	vor.u32 v25, v21  }
0xae: {  	v21 =	vadd.s32 v12, v16  }
0xaf: {  	v26 =	vshll.u32 v21, $0x3  }
0xb0: {  	v21 =	vand.u32 $0x7F, v21;
	v26 =	vand.u32 $0xFFFFFC00, v26  }
0xb1: {  	v21 =	vor.u32 v21, v26;
	[tilespmem:s24+$0x1CA0] =	vst v22  }
0xb2: {  	v22 =	vadd.s32 v21, v24;
	v23 =	vld.idx.msk [tilespmem:v23+s10+$0x0], $0xffff  }
0xb3: {  	v26 =	vor.u32 v25, v22  }
0xb4: {  	v22 =	vadd.s32 v13, v16  }
0xb5: {  	v27 =	vshll.u32 v22, $0x3  }
0xb6: {  	v22 =	vand.u32 $0x7F, v22;
	v27 =	vand.u32 $0xFFFFFC00, v27  }
0xb7: {  	v22 =	vor.u32 v22, v27;
	[tilespmem:s24+$0x1CB0] =	vst v23  }
0xb8: {  	v23 =	vadd.s32 v22, v24;
	v26 =	vld.idx.msk [tilespmem:v26+s10+$0x0], $0xffff  }
0xb9: {  	v27 =	vor.u32 v25, v23  }
0xba: {  	v23 =	vadd.s32 v14, v16  }
0xbb: {  	v62 =	vshll.u32 v23, $0x3  }
0xbc: {  	v23 =	vand.u32 $0x7F, v23;
	v28 =	vand.u32 $0xFFFFFC00, v62  }
0xbd: {  	v23 =	vor.u32 v23, v28;
	[tilespmem:s24+$0x1CC0] =	vst v26  }
0xbe: {  	v26 =	vld.idx.msk [tilespmem:v27+s10+$0x0], $0xffff;
	v27 =	vadd.s32 v23, v24  }
0xbf: {  	v27 =	vor.u32 v25, v27  }
0xc0: {  	v16 =	vadd.s32 v15, v16  }
0xc1: {  	v63 =	vshll.u32 v16, $0x3  }
0xc2: {  	v16 =	vand.u32 $0x7F, v16;
	v28 =	vand.u32 $0xFFFFFC00, v63  }
0xc3: {  	v16 =	vor.u32 v16, v28;
	[tilespmem:s24+$0x1CD0] =	vst v26  }
0xc4: {  	v26 =	vadd.s32 v16, v24;
	v24 =	vld.idx.msk [tilespmem:v27+s10+$0x0], $0xffff  }
0xc5: {  	v25 =	vor.u32 v25, v26  }
0xc6: {  	s31 =	simm.s32 $0x1  }
0xc7: {  	s26 =	simm.s32 $0x2;
	s25 =	simm.s32 $0x0;
	v26 =	vmov s31  }
.LBB2_4:
0xc8: {  	p0 =	sne.s32 s26, $0xF;
	v27 =	vshrl.u32 v26, $0x3  }
0xc9: {  	v27 =	vmul.u32 $0xC00, v27;
	[tilespmem:s24+$0x1CE0] =	vst v24  }
0xca: {  	v24 =	vshll.u32 v26, $0x7;
	v25 =	vld.idx.msk [tilespmem:v25+s10+$0x0], $0xffff  }
0xcb: {  	v26 =	vand.u32 $0x380, v24;
	v24 =	vadd.s32 v17, v27  }
0xcc: {  	v24 =	vor.u32 v26, v24;
	_ =	sdelay $0x3  }
0xcd: {  	[tilespmem:s24+$0x1CF0] =	vst v25  }
0xce: {  	v24 =	vld.idx.msk [tilespmem:v24+s10+$0x0], $0xffff  }
0xcf: {  	v25 =	vadd.s32 v18, v27  }
0xd0: {  	v25 =	vor.u32 v26, v25  }
0xd1: {  	s23 =	sadd.s32 $0x80, s23;
	s25 =	sadd.s32 $0x100, s25  }
0xd2: {  	s28 =	sand.u32 $0x380, s23;
	s24 =	sand.u32 $0x800, s25  }
0xd3: {  	s24 =	sor.u32 s28, s24  }
0xd4: {  	[tilespmem:s24+$0x1C80] =	vst v24  }
0xd5: {  	v24 =	vld.idx.msk [tilespmem:v25+s10+$0x0], $0xffff  }
0xd6: {  	v25 =	vadd.s32 v19, v27  }
0xd7: {  	v25 =	vor.u32 v26, v25;
	_ =	sdelay $0x3  }
0xd8: {  	[tilespmem:s24+$0x1C90] =	vst v24  }
0xd9: {  	v24 =	vld.idx.msk [tilespmem:v25+s10+$0x0], $0xffff  }
0xda: {  	v25 =	vadd.s32 v20, v27  }
0xdb: {  	v25 =	vor.u32 v26, v25;
	_ =	sdelay $0x3  }
0xdc: {  	[tilespmem:s24+$0x1CA0] =	vst v24  }
0xdd: {  	v24 =	vld.idx.msk [tilespmem:v25+s10+$0x0], $0xffff  }
0xde: {  	v25 =	vadd.s32 v21, v27  }
0xdf: {  	v25 =	vor.u32 v26, v25;
	_ =	sdelay $0x3  }
0xe0: {  	[tilespmem:s24+$0x1CB0] =	vst v24  }
0xe1: {  	v24 =	vld.idx.msk [tilespmem:v25+s10+$0x0], $0xffff  }
0xe2: {  	v25 =	vadd.s32 v22, v27  }
0xe3: {  	v25 =	vor.u32 v26, v25;
	_ =	sdelay $0x3  }
0xe4: {  	[tilespmem:s24+$0x1CC0] =	vst v24  }
0xe5: {  	v24 =	vld.idx.msk [tilespmem:v25+s10+$0x0], $0xffff  }
0xe6: {  	v25 =	vadd.s32 v23, v27  }
0xe7: {  	v25 =	vor.u32 v26, v25;
	_ =	sdelay $0x3  }
0xe8: {  	[tilespmem:s24+$0x1CD0] =	vst v24  }
.Ltmp1:
0xe9: {  	v24 =	vld.idx.msk [tilespmem:v25+s10+$0x0], $0xffff;
	(pc) =	sbr.rel @p0 .LBB2_4-.Ltmp1, $3  }
0xea: {  	v25 =	vadd.s32 v16, v27  }
0xeb: {  	v25 =	vor.u32 v26, v25;
	_ =	sdelay $0x1  }
0xec: {  	v26 =	vmov s26;
	s26 =	sadd.s32 $0x1, s26  }
0xed: {  	_ = 	snop  }
0xee: {  	v27 =	vshrl.u32 v26, $0x3  }
0xef: {  	v27 =	vmul.u32 $0xC00, v27  }
0xf0: {  	[tilespmem:s24+$0x1CE0] =	vst v24;
	v58 =	vshll.u32 v26, $0x7  }
0xf1: {  	v25 =	vld.idx.msk [tilespmem:v25+s10+$0x0], $0xffff;
	v24 =	vand.u32 $0x380, v58;
	v17 =	vadd.s32 v17, v27  }
0xf2: {  	v17 =	vor.u32 v24, v17;
	_ =	sdelay $0x3  }
0xf3: {  	[tilespmem:s24+$0x1CF0] =	vst v25  }
0xf4: {  	v18 =	vadd.s32 v18, v27;
	v17 =	vld.idx.msk [tilespmem:v17+s10+$0x0], $0xffff  }
0xf5: {  	v18 =	vor.u32 v24, v18  }
0xf6: {  	s23 =	sadd.s32 $0x80, s23;
	s30 =	sadd.s32 $0x100, s25  }
0xf7: {  	s23 =	sand.u32 $0x380, s23;
	s24 =	sand.u32 $0x800, s30  }
0xf8: {  	s23 =	sor.u32 s23, s24  }
0xf9: {  	[tilespmem:s23+$0x1C80] =	vst v17  }
0xfa: {  	v59 =	vadd.s32 v19, v27;
	v17 =	vld.idx.msk [tilespmem:v18+s10+$0x0], $0xffff  }
0xfb: {  	v18 =	vor.u32 v24, v59;
	_ =	sdelay $0x3  }
0xfc: {  	[tilespmem:s23+$0x1C90] =	vst v17  }
0xfd: {  	v60 =	vadd.s32 v20, v27;
	v17 =	vld.idx.msk [tilespmem:v18+s10+$0x0], $0xffff  }
0xfe: {  	v18 =	vor.u32 v24, v60;
	_ =	sdelay $0x3  }
0xff: {  	[tilespmem:s23+$0x1CA0] =	vst v17  }
0x100: {  	v61 =	vadd.s32 v21, v27;
	v17 =	vld.idx.msk [tilespmem:v18+s10+$0x0], $0xffff  }
0x101: {  	v18 =	vor.u32 v24, v61;
	_ =	sdelay $0x3  }
0x102: {  	[tilespmem:s23+$0x1CB0] =	vst v17  }
0x103: {  	v62 =	vadd.s32 v22, v27;
	v17 =	vld.idx.msk [tilespmem:v18+s10+$0x0], $0xffff  }
0x104: {  	v18 =	vor.u32 v24, v62;
	_ =	sdelay $0x3  }
0x105: {  	[tilespmem:s23+$0x1CC0] =	vst v17  }
0x106: {  	v63 =	vadd.s32 v23, v27;
	v17 =	vld.idx.msk [tilespmem:v18+s10+$0x0], $0xffff  }
0x107: {  	v18 =	vor.u32 v24, v63;
	_ =	sdelay $0x3  }
0x108: {  	[tilespmem:s23+$0x1CD0] =	vst v17  }
0x109: {  	v16 =	vadd.s32 v16, v27;
	v17 =	vld.idx.msk [tilespmem:v18+s10+$0x0], $0xffff  }
0x10a: {  	v16 =	vor.u32 v24, v16;
	_ =	sdelay $0x3  }
0x10b: {  	[tilespmem:s23+$0x1CE0] =	vst v17  }
0x10c: {  	v16 =	vld.idx.msk [tilespmem:v16+s10+$0x0], $0xffff;
	_ =	sdelay $0x4  }
0x10d: {  	[tilespmem:s23+$0x1CF0] =	vst v16  }
0x10e: {  	_ =	swait.ge [sflag:s19], $0x800  }
0x10f: {  	s22 =	sadd.s32 $0x1, s22;
	[sflag:s19] =	ssyncset.done $0x0  }
0x110: {  	p0 =	sne.s32 s22, s8;
	[sflag:s19] =	ssyncadd.s32 $0xFFFFF800  }
0x111: {  	[hbm4b:s7+s4] =	stream.linear.scatter [tilespmem:s20], [sflag:$0x4], $0x400, $0x38;
	[tilespmem:$0x2880] =	vst v63  }
.Ltmp2:
0x112: {  	s31 =	sadd.s32 $0x2000, s7;
	(pc) =	sbr.rel @p0 .LBB2_1-.Ltmp2, $4  }
0x113: {  	[hbm4b:s31+s4] =	stream.linear.scatter [tilespmem:s21], [sflag:$0x4], $0x400, $0x38;
	[tilespmem:$0x2880] =	vst v63  }
0x114: {  	_ =	swait.ge [sflag:s9], $0x800  }
0x115: {  	[sflag:s9] =	ssyncset.done $0x0  }
0x116: {  	[sflag:s9] =	ssyncadd.s32 $0xFFFFF800  }
0x117: {  	_ =	sfence.sel $0x180000  }
0x118: {  	[bflag:$0x0] =	sbarrier.arrive $0xFFFF  }
0x119: {  	p0 =	sne.s32 s2, $0x0;
	_ =	strace $0x90000047  }
0x11a: {  	s0 =	sadd.s32 @!p0 $0x100000, s0;
	[bflag:$0x2] =	sbarrier.arrive $0xFFFF  }
0x11b: {  	[sflag:s0] =	ssyncadd.tile.s32 @!p0 $0x1;
	_ =	shalt  }
.Lfunc_end2:
_tile_overlayer_lowered:
.L_overlay_start_2:
0x11c: {  	(tag) =	ssettag $0x2  }
0x11d: {  	s0 =	rddreg [dreg:$0x0];
	s2 =	stileid.u32  }
0x11e: {  	s1 =	rddreg [dreg:$0x1];
	p0 =	sne.s32 s2, $0x0  }
0x11f: {  	s3 =	rddreg [dreg:$0x2];
	[bflag:$0x3] =	sbarrier.arrive $0xFFFF;
	s2 =	simm.s32 @!p0 $0x1C04  }
0x120: {  	[timem:s3], [sflag:s2] =	dma.local @!p0 [hbm:s0], s1  }
0x121: {  	s0 =	simm.s32 @!p0 $0x4  }
0x122: {  	_ =	swait.ge @!p0 [sflag:s0], s1  }
0x123: {  	s1 =	ssub.s32 @!p0 $0x0, s1;
	[sflag:s0] =	ssyncset.done @!p0 $0x0  }
0x124: {  	[sflag:s0] =	ssyncadd.s32 @!p0 s1  }
0x125: {  	[bflag:$0x3] =	sbarrier.arrive $0xFFFF  }
0x126: {  	_ =	shalt  }

</sc_bundles>
